<compile_context>
chip_gen: v7x
topology: tpu7x:2x2x1
jax: 0.10.2.dev20260603
libtpu: 0.0.44.dev20260713+nightly
codegen_flags: <defaults>
</compile_context>

<pallas_src>
import functools

import jax
import jax.numpy as jnp
from jax import lax
from jax.experimental import pallas as pl
from jax.experimental.pallas import tpu as pltpu
from jax.experimental.pallas import tpu_sc as plsc

N_CONT = 13
N_CAT = 26
VOCAB = 100000
EDIM = 16
BATCH = 16384

_INFO = plsc.get_sparse_core_info()
_NC = _INFO.num_cores
_NS = _INFO.num_subcores
_L = _INFO.num_lanes
_NW = _NC * _NS

_TOTAL_ROWS = BATCH * N_CAT
_PER_W = _TOTAL_ROWS // _NW
_CHUNK = 3328
_NCHUNK = _PER_W // _CHUNK
_VECS = _CHUNK // _L


def _emb_gather(x_cat_flat, table_flat):

  mesh = plsc.VectorSubcoreMesh(core_axis_name="c", subcore_axis_name="s")

  @functools.partial(
      pl.kernel,
      mesh=mesh,
      out_type=jax.ShapeDtypeStruct((_TOTAL_ROWS, EDIM), jnp.float32),
      compiler_params=pltpu.CompilerParams(use_tc_tiling_on_sc=False),
      scratch_types=[
          pltpu.VMEM((_CHUNK,), jnp.float32),
          pltpu.VMEM((_CHUNK,), jnp.int32),
          pltpu.VMEM((_CHUNK, EDIM), jnp.float32),
          pltpu.SemaphoreType.DMA,
      ],
  )
  def k(xcat_hbm, table_hbm, out_hbm, xbuf, idxbuf, rowbuf, sem):
    wid = lax.axis_index("s") * _NC + lax.axis_index("c")
    base_w = wid * _PER_W
    lane = lax.iota(jnp.int32, _L)

    def chunk_body(c, carry):
      base = pl.multiple_of(base_w + c * _CHUNK, 8)
      pltpu.sync_copy(xcat_hbm.at[pl.ds(base, _CHUNK)], xbuf)

      def vec_body(j, carry2):
        off = pl.multiple_of(j * _L, _L)
        v = xbuf[pl.ds(off, _L)].astype(jnp.int32)
        pos = base + off + lane
        idxbuf[pl.ds(off, _L)] = v + lax.rem(pos, N_CAT) * VOCAB
        return carry2

      lax.fori_loop(0, _VECS, vec_body, 0, unroll=4)

      pltpu.async_copy(table_hbm.at[idxbuf], rowbuf, sem).wait()
      pltpu.sync_copy(rowbuf, out_hbm.at[pl.ds(base, _CHUNK)])
      return carry

    lax.fori_loop(0, _NCHUNK, chunk_body, 0)

  return k(x_cat_flat, table_flat)


def kernel(x_in, tables):
  x_cat_flat = x_in[:, N_CONT:].reshape(-1)
  table_flat = tables.reshape(N_CAT * VOCAB, EDIM)
  emb = _emb_gather(x_cat_flat, table_flat)
  x = emb.reshape(BATCH, N_CAT * EDIM)
  return jnp.concatenate([x, x_in[:, :N_CONT]], axis=1)

# --- scband reference (transcript-rebuilt; emitter-appended) ---
"""Pipeline reference for scband-cat-emb-head-3126736192036 (READ-ONLY COPY).

The authoritative reference and input builder live on the scoring server;
editing this copy changes nothing except your own understanding.
"""

import jax, jax.numpy as jnp
import numpy as np

N_CONT = 13
N_CAT = 26
VOCAB = 100000
EDIM = 16
BATCH = 16384


def setup_inputs(seed: int = 0) -> dict:
    key = jax.random.key(seed)
    k1, k2 = jax.random.split(key)
    # x_in: first N_CONT columns are continuous features, remaining N_CAT columns are
    # categorical indices stored as floats (as in the torch module, cast to long in forward).
    x_in = jax.random.randint(k1, (BATCH, N_CONT + N_CAT), 0, VOCAB).astype(jnp.float32)
    # 26 embedding tables, each [VOCAB, EDIM] (nn.Embedding weights), stacked.
    tables = jax.random.normal(k2, (N_CAT, VOCAB, EDIM), dtype=jnp.float32) * 0.01
    return {"x_in": x_in, "tables": tables}


def reference(x_in, tables):
    # x_cat = x_in[:, n_cont_in:].long()
    x_cat = x_in[:, N_CONT:].astype(jnp.int32)
    # x = torch.cat([emb(x_cat[:, i]) for i, emb in enumerate(self.embeds)], dim=1)
    embs = [jnp.take(tables[i], x_cat[:, i], axis=0) for i in range(N_CAT)]
    x = jnp.concatenate(embs, axis=1)
    # x_cont = x_in[:, :n_cont_in]; x = cat((x, x_cont), dim=1)
    x_cont = x_in[:, :N_CONT]
    x = jnp.concatenate([x, x_cont], axis=1)
    return x

if __name__ == "__main__":
    import jax
    _d = setup_inputs()
    print(jax.jit(kernel)(*tuple(_d.values())))

</pallas_src>

<mosaic_0001>
#map = affine_map<(d0, d1) -> (0)>
#map1 = affine_map<(d0, d1) -> (0, 0)>
module attributes {stable_mosaic.version = 14 : i64} {
  func.func @k(%arg0: i32, %arg1: i32, %arg2: memref<425984xf32, #tpu.memory_space<hbm>>, %arg3: memref<2600000x16xf32, #tpu.memory_space<hbm>>, %arg4: memref<425984x16xf32, #tpu.memory_space<hbm>>, %arg5: memref<3328xf32, #tpu.memory_space<vmem>>, %arg6: memref<3328xi32, #tpu.memory_space<vmem>>, %arg7: memref<3328x16xf32, #tpu.memory_space<vmem>>, %arg8: memref<!tpu.dma_semaphore, #tpu.memory_space<semaphore_mem>>) attributes {dimension_semantics = [#tpu.dimension_semantics<core_parallel>, #tpu.dimension_semantics<subcore_parallel>], iteration_bounds = array<i64: 2, 16>, scalar_prefetch = 0 : i64, scratch_operands = 4 : i64, tpu.core_type = #tpu.core_type<sc_vector_subcore>, window_params = [{transform_indices = #map}, {transform_indices = #map1}, {transform_indices = #map1}]} {
    %mul3A = arith.constant 2 : i32
    %mul3A_0 = arith.muli %arg1, %mul3A : i32
    %add3A = arith.addi %mul3A_0, %arg0 : i32
    %mul3A_1 = arith.constant 13312 : i32
    %mul3A_2 = arith.muli %add3A, %mul3A_1 : i32
    %iota3A = tpu.iota {dimensions = array<i32: 0>} : vector<16xi32>
    %scan3A = arith.constant 0 : i32
    %scan3A_3 = arith.constant 0 : i32
    %scan3A_4 = arith.constant 4 : i32
    %scan3A_5 = arith.addi %scan3A_3, %scan3A_4 : i32
    %scan3A_6 = arith.constant 1 : i32
    scf.for %scan3A_8 = %scan3A_3 to %scan3A_5 step %scan3A_6  : i32 {
      %mul3A_9 = arith.constant 3328 : i32
      %mul3A_10 = arith.muli %scan3A_8, %mul3A_9 : i32
      %add3A_11 = arith.addi %mul3A_2, %mul3A_10 : i32
      %multiple_of3A = tpu.assume_multiple %add3A_11, 8 : i32
      "tpu.region"() ({
        %run_scoped3A = tpu.sem_alloc : memref<!tpu.dma_semaphore, #tpu.memory_space<semaphore_mem>>
        %dma_start3A_22 = tpu.memref_slice %arg2[%multiple_of3A] : memref<425984xf32, #tpu.memory_space<hbm>> -> memref<3328xf32, #tpu.memory_space<hbm>>
        %dma_start3A_23 = tpu.memref_slice %arg2[%multiple_of3A] : memref<425984xf32, #tpu.memory_space<hbm>> -> memref<3328xf32, #tpu.memory_space<hbm>>
        tpu.enqueue_dma source(%dma_start3A_23 : memref<3328xf32, #tpu.memory_space<hbm>>) target(%arg5 : memref<3328xf32, #tpu.memory_space<vmem>>) target_semaphore(%run_scoped3A : memref<!tpu.dma_semaphore, #tpu.memory_space<semaphore_mem>>)
        %dma_wait3A_24 = tpu.memref_slice %arg2[%multiple_of3A] : memref<425984xf32, #tpu.memory_space<hbm>> -> memref<3328xf32, #tpu.memory_space<hbm>>
        %dma_wait3A_25 = tpu.memref_slice %arg2[%multiple_of3A] : memref<425984xf32, #tpu.memory_space<hbm>> -> memref<3328xf32, #tpu.memory_space<hbm>>
        tpu.wait_dma2 semaphore(%run_scoped3A : memref<!tpu.dma_semaphore, #tpu.memory_space<semaphore_mem>>) src(%dma_wait3A_25 : memref<3328xf32, #tpu.memory_space<hbm>>) dst(%arg5 : memref<3328xf32, #tpu.memory_space<vmem>>)
        tpu.yield
      }) : () -> ()
      %scan3A_12 = arith.constant 0 : i32
      %scan3A_13 = arith.constant 0 : i32
      %scan3A_14 = arith.constant 208 : i32
      %scan3A_15 = arith.addi %scan3A_13, %scan3A_14 : i32
      %scan3A_16 = arith.constant 4 : i32
      scf.for %scan3A_22 = %scan3A_13 to %scan3A_15 step %scan3A_16  : i32 {
        %mul3A_23 = arith.constant 16 : i32
        %mul3A_24 = arith.muli %scan3A_22, %mul3A_23 : i32
        %multiple_of3A_25 = tpu.assume_multiple %mul3A_24, 16 : i32
        %get3A = arith.index_cast %multiple_of3A_25 : i32 to index
        %get3A_26 = tpu.vector_load %arg5[%get3A] {strides = array<i32>} : memref<3328xf32, #tpu.memory_space<vmem>>, vector<16xf32>,
        %get3A_27 = vector.shape_cast %get3A_26 : vector<16xf32> to vector<16xf32>
        %convert_element_type3A = arith.fptosi %get3A_27 : vector<16xf32> to vector<16xi32>
        %add3A_28 = arith.addi %multiple_of3A, %multiple_of3A_25 : i32
        %add3A_29 = vector.broadcast %add3A_28 : i32 to vector<16xi32>
        %add3A_30 = arith.addi %add3A_29, %iota3A : vector<16xi32>
        %rem3A = arith.constant 26 : i32
        %rem3A_31 = vector.broadcast %rem3A : i32 to vector<16xi32>
        %rem3A_32 = arith.remsi %add3A_30, %rem3A_31 : vector<16xi32>
        %mul3A_33 = arith.constant 100000 : i32
        %mul3A_34 = vector.broadcast %mul3A_33 : i32 to vector<16xi32>
        %mul3A_35 = arith.muli %rem3A_32, %mul3A_34 : vector<16xi32>
        %add3A_36 = arith.addi %convert_element_type3A, %mul3A_35 : vector<16xi32>
        %swap3A = arith.index_cast %multiple_of3A_25 : i32 to index
        %swap3A_37 = tpu.vector_load %arg6[%swap3A] {strides = array<i32>} : memref<3328xi32, #tpu.memory_space<vmem>>, vector<16xi32>,
        %swap3A_38 = vector.shape_cast %swap3A_37 : vector<16xi32> to vector<16xi32>
        %swap3A_39 = vector.shape_cast %add3A_36 : vector<16xi32> to vector<16xi32>
        tpu.vector_store %arg6[%swap3A], %swap3A_39 {strides = array<i32>} : memref<3328xi32, #tpu.memory_space<vmem>>, vector<16xi32>,
        %scan3A_40 = arith.constant 1 : i32
        %scan3A_41 = arith.addi %scan3A_22, %scan3A_40 : i32
        %mul3A_42 = arith.constant 16 : i32
        %mul3A_43 = arith.muli %scan3A_41, %mul3A_42 : i32
        %multiple_of3A_44 = tpu.assume_multiple %mul3A_43, 16 : i32
        %get3A_45 = arith.index_cast %multiple_of3A_44 : i32 to index
        %get3A_46 = tpu.vector_load %arg5[%get3A_45] {strides = array<i32>} : memref<3328xf32, #tpu.memory_space<vmem>>, vector<16xf32>,
        %get3A_47 = vector.shape_cast %get3A_46 : vector<16xf32> to vector<16xf32>
        %convert_element_type3A_48 = arith.fptosi %get3A_47 : vector<16xf32> to vector<16xi32>
        %add3A_49 = arith.addi %multiple_of3A, %multiple_of3A_44 : i32
        %add3A_50 = vector.broadcast %add3A_49 : i32 to vector<16xi32>
        %add3A_51 = arith.addi %add3A_50, %iota3A : vector<16xi32>
        %rem3A_52 = arith.constant 26 : i32
        %rem3A_53 = vector.broadcast %rem3A_52 : i32 to vector<16xi32>
        %rem3A_54 = arith.remsi %add3A_51, %rem3A_53 : vector<16xi32>
        %mul3A_55 = arith.constant 100000 : i32
        %mul3A_56 = vector.broadcast %mul3A_55 : i32 to vector<16xi32>
        %mul3A_57 = arith.muli %rem3A_54, %mul3A_56 : vector<16xi32>
        %add3A_58 = arith.addi %convert_element_type3A_48, %mul3A_57 : vector<16xi32>
        %swap3A_59 = arith.index_cast %multiple_of3A_44 : i32 to index
        %swap3A_60 = tpu.vector_load %arg6[%swap3A_59] {strides = array<i32>} : memref<3328xi32, #tpu.memory_space<vmem>>, vector<16xi32>,
        %swap3A_61 = vector.shape_cast %swap3A_60 : vector<16xi32> to vector<16xi32>
        %swap3A_62 = vector.shape_cast %add3A_58 : vector<16xi32> to vector<16xi32>
        tpu.vector_store %arg6[%swap3A_59], %swap3A_62 {strides = array<i32>} : memref<3328xi32, #tpu.memory_space<vmem>>, vector<16xi32>,
        %scan3A_63 = arith.constant 2 : i32
        %scan3A_64 = arith.addi %scan3A_22, %scan3A_63 : i32
        %mul3A_65 = arith.constant 16 : i32
        %mul3A_66 = arith.muli %scan3A_64, %mul3A_65 : i32
        %multiple_of3A_67 = tpu.assume_multiple %mul3A_66, 16 : i32
        %get3A_68 = arith.index_cast %multiple_of3A_67 : i32 to index
        %get3A_69 = tpu.vector_load %arg5[%get3A_68] {strides = array<i32>} : memref<3328xf32, #tpu.memory_space<vmem>>, vector<16xf32>,
        %get3A_70 = vector.shape_cast %get3A_69 : vector<16xf32> to vector<16xf32>
        %convert_element_type3A_71 = arith.fptosi %get3A_70 : vector<16xf32> to vector<16xi32>
        %add3A_72 = arith.addi %multiple_of3A, %multiple_of3A_67 : i32
        %add3A_73 = vector.broadcast %add3A_72 : i32 to vector<16xi32>
        %add3A_74 = arith.addi %add3A_73, %iota3A : vector<16xi32>
        %rem3A_75 = arith.constant 26 : i32
        %rem3A_76 = vector.broadcast %rem3A_75 : i32 to vector<16xi32>
        %rem3A_77 = arith.remsi %add3A_74, %rem3A_76 : vector<16xi32>
        %mul3A_78 = arith.constant 100000 : i32
        %mul3A_79 = vector.broadcast %mul3A_78 : i32 to vector<16xi32>
        %mul3A_80 = arith.muli %rem3A_77, %mul3A_79 : vector<16xi32>
        %add3A_81 = arith.addi %convert_element_type3A_71, %mul3A_80 : vector<16xi32>
        %swap3A_82 = arith.index_cast %multiple_of3A_67 : i32 to index
        %swap3A_83 = tpu.vector_load %arg6[%swap3A_82] {strides = array<i32>} : memref<3328xi32, #tpu.memory_space<vmem>>, vector<16xi32>,
        %swap3A_84 = vector.shape_cast %swap3A_83 : vector<16xi32> to vector<16xi32>
        %swap3A_85 = vector.shape_cast %add3A_81 : vector<16xi32> to vector<16xi32>
        tpu.vector_store %arg6[%swap3A_82], %swap3A_85 {strides = array<i32>} : memref<3328xi32, #tpu.memory_space<vmem>>, vector<16xi32>,
        %scan3A_86 = arith.constant 3 : i32
        %scan3A_87 = arith.addi %scan3A_22, %scan3A_86 : i32
        %mul3A_88 = arith.constant 16 : i32
        %mul3A_89 = arith.muli %scan3A_87, %mul3A_88 : i32
        %multiple_of3A_90 = tpu.assume_multiple %mul3A_89, 16 : i32
        %get3A_91 = arith.index_cast %multiple_of3A_90 : i32 to index
        %get3A_92 = tpu.vector_load %arg5[%get3A_91] {strides = array<i32>} : memref<3328xf32, #tpu.memory_space<vmem>>, vector<16xf32>,
        %get3A_93 = vector.shape_cast %get3A_92 : vector<16xf32> to vector<16xf32>
        %convert_element_type3A_94 = arith.fptosi %get3A_93 : vector<16xf32> to vector<16xi32>
        %add3A_95 = arith.addi %multiple_of3A, %multiple_of3A_90 : i32
        %add3A_96 = vector.broadcast %add3A_95 : i32 to vector<16xi32>
        %add3A_97 = arith.addi %add3A_96, %iota3A : vector<16xi32>
        %rem3A_98 = arith.constant 26 : i32
        %rem3A_99 = vector.broadcast %rem3A_98 : i32 to vector<16xi32>
        %rem3A_100 = arith.remsi %add3A_97, %rem3A_99 : vector<16xi32>
        %mul3A_101 = arith.constant 100000 : i32
        %mul3A_102 = vector.broadcast %mul3A_101 : i32 to vector<16xi32>
        %mul3A_103 = arith.muli %rem3A_100, %mul3A_102 : vector<16xi32>
        %add3A_104 = arith.addi %convert_element_type3A_94, %mul3A_103 : vector<16xi32>
        %swap3A_105 = arith.index_cast %multiple_of3A_90 : i32 to index
        %swap3A_106 = tpu.vector_load %arg6[%swap3A_105] {strides = array<i32>} : memref<3328xi32, #tpu.memory_space<vmem>>, vector<16xi32>,
        %swap3A_107 = vector.shape_cast %swap3A_106 : vector<16xi32> to vector<16xi32>
        %swap3A_108 = vector.shape_cast %add3A_104 : vector<16xi32> to vector<16xi32>
        tpu.vector_store %arg6[%swap3A_105], %swap3A_108 {strides = array<i32>} : memref<3328xi32, #tpu.memory_space<vmem>>, vector<16xi32>,
      }
      %scan3A_17 = arith.constant 208 : i32
      %dma_start3A = arith.constant 0 : i32
      %dma_start3A_18 = arith.constant 0 : i32
      %dma_start3A_19 = tpu.memref_slice %arg3[%dma_start3A, %dma_start3A_18] : memref<2600000x16xf32, #tpu.memory_space<hbm>> -> memref<2600000x16xf32, #tpu.memory_space<hbm>>
      tpu.enqueue_indirect_dma source(%dma_start3A_19 : memref<2600000x16xf32, #tpu.memory_space<hbm>>) target(%arg7 : memref<3328x16xf32, #tpu.memory_space<vmem>>) offsets(%arg6 : memref<3328xi32, #tpu.memory_space<vmem>>) semaphore(%arg8 : memref<!tpu.dma_semaphore, #tpu.memory_space<semaphore_mem>>)
      %dma_wait3A = arith.constant 0 : i32
      %dma_wait3A_20 = arith.constant 0 : i32
      %dma_wait3A_21 = tpu.memref_slice %arg3[%dma_wait3A, %dma_wait3A_20] : memref<2600000x16xf32, #tpu.memory_space<hbm>> -> memref<2600000x16xf32, #tpu.memory_space<hbm>>
      tpu.wait_indirect_dma semaphore(%arg8 : memref<!tpu.dma_semaphore, #tpu.memory_space<semaphore_mem>>) src(%dma_wait3A_21 : memref<2600000x16xf32, #tpu.memory_space<hbm>>) dst(%arg7 : memref<3328x16xf32, #tpu.memory_space<vmem>>)
      "tpu.region"() ({
        %run_scoped3A = tpu.sem_alloc : memref<!tpu.dma_semaphore, #tpu.memory_space<semaphore_mem>>
        %dma_start3A_22 = arith.constant 0 : i32
        %dma_start3A_23 = tpu.memref_slice %arg4[%multiple_of3A, %dma_start3A_22] : memref<425984x16xf32, #tpu.memory_space<hbm>> -> memref<3328x16xf32, #tpu.memory_space<hbm>>
        %dma_start3A_24 = arith.constant 0 : i32
        %dma_start3A_25 = tpu.memref_slice %arg4[%multiple_of3A, %dma_start3A_24] : memref<425984x16xf32, #tpu.memory_space<hbm>> -> memref<3328x16xf32, #tpu.memory_space<hbm>>
        tpu.enqueue_dma source(%arg7 : memref<3328x16xf32, #tpu.memory_space<vmem>>) target(%dma_start3A_25 : memref<3328x16xf32, #tpu.memory_space<hbm>>) target_semaphore(%run_scoped3A : memref<!tpu.dma_semaphore, #tpu.memory_space<semaphore_mem>>)
        %dma_wait3A_26 = arith.constant 0 : i32
        %dma_wait3A_27 = tpu.memref_slice %arg4[%multiple_of3A, %dma_wait3A_26] : memref<425984x16xf32, #tpu.memory_space<hbm>> -> memref<3328x16xf32, #tpu.memory_space<hbm>>
        %dma_wait3A_28 = arith.constant 0 : i32
        %dma_wait3A_29 = tpu.memref_slice %arg4[%multiple_of3A, %dma_wait3A_28] : memref<425984x16xf32, #tpu.memory_space<hbm>> -> memref<3328x16xf32, #tpu.memory_space<hbm>>
        tpu.wait_dma2 semaphore(%run_scoped3A : memref<!tpu.dma_semaphore, #tpu.memory_space<semaphore_mem>>) src(%arg7 : memref<3328x16xf32, #tpu.memory_space<vmem>>) dst(%dma_wait3A_29 : memref<3328x16xf32, #tpu.memory_space<hbm>>)
        tpu.yield
      }) : () -> ()
    }
    %scan3A_7 = arith.constant 4 : i32
    return
  }
}

</mosaic_0001>

<sc_bundles>
// kernel: kernel.3.cloned.1.call-start
scs
__scs_entry_jumppad:
0x0: {  	(pc) =	sbr.rel $0x88, $3  }
0x1: {  	(tag) =	ssettag $0x0;
	lr =	simm.s32 $0x1  }
0x2: {  	[smem:$0x3F9F] =	sst lr;
	_ =	strace $0xD0000000  }
0x3: {  	_ = 	snop  }
0x4: {  	_ = 	snop  }
0x5: {  	_ = 	snop  }
0x6: {  	_ = 	snop  }
0x7: {  	_ = 	snop  }
__scs_overlays_trampoline_lowered:
0x8: {  	[smem:$0x3FAE] =	sst s0  }
0x9: {  	[smem:$0x3FAF] =	sst s1  }
0xa: {  	[smem:$0x3FB0] =	sst s2  }
0xb: {  	[smem:$0x3FB1] =	sst s3  }
0xc: {  	[smem:$0x3FB2] =	sst s4  }
0xd: {  	[smem:$0x3FB3] =	sst s5  }
0xe: {  	[smem:$0x3FB4] =	sst s6  }
0xf: {  	[smem:$0x3FB5] =	sst s7  }
0x10: {  	[smem:$0x3FB6] =	sst s8  }
0x11: {  	[smem:$0x3FB7] =	sst s9;
	s0 =	simm.s32 @!p0 $0x0  }
0x12: {  	s1 =	sld [smem:$0x3F9D];
	s0 =	simm.s32 @p0 $0x1  }
0x13: {  	[smem:$0x3FB8] =	sst s0;
	s0 =	simm.s32 @!p1 $0x0  }
0x14: {  	s2 =	sld [smem:$0x3F9C];
	s0 =	simm.s32 @p1 $0x1  }
0x15: {  	[smem:$0x3FB9] =	sst s0;
	s0 =	simm.s32 @!p2 $0x0  }
0x16: {  	s3 =	sld [smem:$0x3FDB];
	s0 =	simm.s32 @p2 $0x1  }
0x17: {  	s4 =	simm.s32 $0x1BF5;
	[smem:$0x3FBB] =	sst s0  }
0x18: {  	s0 =	sld [smem:$0x3F9E];
	_ =	swait.ge [sflag:s4], $0x0  }
0x19: {  	s7 =	sld [smem:$0x3F9F]  }
0x1a: {  	s8 =	sadd.s32 $0xFFFFE003, lr  }
0x1b: {  	s9 =	sadd.s32 $0xFFFFFEF7, lr;
	s5 =	simm.s32 $0xFFFFFFFF;
	p2 =	slt.u32 s8, $0xFFFFF086  }
0x1c: {  	p1 =	slt.u32 s9, $0xF7A;
	s5 =	simm.s32 @!p2 $0x0  }
0x1d: {  	s5 =	simm.s32 @p1 $0x1;
	p0 =	seq.s32 s7, s2  }
0x1e: {  	s7 =	smul.u32 @!p0 $0xF7A, s2;
	p2 =	seq.s32 @!p0 s5, $0x0  }
0x1f: {  	s9 =	smul.u32 $0xF7A, s1;
	s8 =	simm.s32 @!p0 $0x1BF5;
	p2 =	por !p2, p0  }
0x20: {  	[sflag:s8] =	ssyncset.s32 @!p0 $0xFFFFF086;
	s6 =	sadd.s32 @!p0 s3, s7;
	s7 =	simm.s32 @!p0 $0x108  }
0x21: {  	s3 =	sadd.s32 s3, s9;
	s6 =	sadd.s32 @!p0 $0x88, s6;
	s7 =	simm.s32 @p2 $0x1082  }
0x22: {  	[simem:s7], [sflag:s8] =	dma.local @!p0 [hbm:s6], $0xF7A  }
0x23: {  	s9 =	sor.u32 $0xD0000000, s2;
	s6 =	simm.s32 $0x108;
	_ =	swait.ge @!p0 [sflag:s8], $0x0  }
0x24: {  	s3 =	sadd.s32 $0x88, s3;
	s6 =	simm.s32 @!p1 $0x1082;
	[sflag:s4] =	ssyncset.s32 $0xFFFFF086  }
0x25: {  	[simem:s6], [sflag:s4] =	dma.local [hbm:s3], $0xF7A  }
0x26: {  	[smem:$0x3F9F] =	sst s1;
	(tag) =	ssettag s2;
	_ =	strace s9  }
0x27: {  	s1 =	sld [smem:$0x3FAF]  }
0x28: {  	s2 =	sld [smem:$0x3FB0]  }
0x29: {  	s4 =	sld [smem:$0x3FB2]  }
0x2a: {  	p0 =	seq.s32 s5, $0x0;
	s5 =	sld [smem:$0x3FB3]  }
0x2b: {  	s6 =	sld [smem:$0x3FB4]  }
0x2c: {  	s7 =	sld [smem:$0x3FB5]  }
0x2d: {  	s3 =	simm.s32 $0x108;
	s8 =	sld [smem:$0x3FB6]  }
0x2e: {  	s3 =	simm.s32 @!p0 $0x1082;
	s9 =	sld [smem:$0x3FB7]  }
0x2f: {  	lr =	sadd.s32 s0, s3;
	s0 =	sld [smem:$0x3FAE]  }
0x30: {  	s3 =	sld [smem:$0x3FB1]  }
0x31: {  	[smem:$0x3FBA] =	sst s10  }
0x32: {  	s10 =	sld [smem:$0x3FB8];
	_ =	sdelay $0x3  }
0x33: {  	p0 =	seq.s32 s10, $0x1;
	s10 =	sld [smem:$0x3FBA];
	_ =	sdelay $0x3  }
0x34: {  	[smem:$0x3FBA] =	sst s10  }
0x35: {  	s10 =	sld [smem:$0x3FB9];
	_ =	sdelay $0x3  }
0x36: {  	p1 =	seq.s32 s10, $0x1;
	s10 =	sld [smem:$0x3FBA];
	_ =	sdelay $0x3  }
0x37: {  	[smem:$0x3FBA] =	sst s10  }
0x38: {  	s10 =	sld [smem:$0x3FBB]  }
0x39: {  	_ = 	snop;
	(pc) =	sbr.ind lr, $3  }
0x3a: {  	_ = 	snop  }
0x3b: {  	_ = 	snop  }
0x3c: {  	p2 =	seq.s32 s10, $0x1;
	s10 =	sld [smem:$0x3FBA]  }
0x3d: {  	_ =	shalt  }
0x3e: {  	_ =	shalt  }
0x3f: {  	_ =	shalt  }
0x40: {  	_ =	shalt  }
0x41: {  	_ =	shalt  }
0x42: {  	_ =	shalt  }
0x43: {  	_ =	shalt  }
0x44: {  	_ =	shalt  }
0x45: {  	_ =	shalt  }
0x46: {  	_ =	shalt  }
0x47: {  	_ =	shalt  }
0x48: {  	_ =	shalt  }
0x49: {  	_ =	shalt  }
0x4a: {  	_ =	shalt  }
0x4b: {  	_ =	shalt  }
0x4c: {  	_ =	shalt  }
0x4d: {  	_ =	shalt  }
0x4e: {  	_ =	shalt  }
0x4f: {  	_ =	shalt  }
0x50: {  	_ =	shalt  }
0x51: {  	_ =	shalt  }
0x52: {  	_ =	shalt  }
0x53: {  	_ =	shalt  }
0x54: {  	_ =	shalt  }
0x55: {  	_ =	shalt  }
0x56: {  	_ =	shalt  }
0x57: {  	_ =	shalt  }
0x58: {  	_ =	shalt  }
0x59: {  	_ =	shalt  }
0x5a: {  	_ =	shalt  }
0x5b: {  	_ =	shalt  }
0x5c: {  	_ =	shalt  }
0x5d: {  	_ =	shalt  }
0x5e: {  	_ =	shalt  }
0x5f: {  	_ =	shalt  }
0x60: {  	_ =	shalt  }
0x61: {  	_ =	shalt  }
0x62: {  	_ =	shalt  }
0x63: {  	_ =	shalt  }
0x64: {  	_ =	shalt  }
0x65: {  	_ =	shalt  }
0x66: {  	_ =	shalt  }
0x67: {  	_ =	shalt  }
0x68: {  	_ =	shalt  }
0x69: {  	_ =	shalt  }
0x6a: {  	_ =	shalt  }
0x6b: {  	_ =	shalt  }
0x6c: {  	_ =	shalt  }
0x6d: {  	_ =	shalt  }
0x6e: {  	_ =	shalt  }
0x6f: {  	_ =	shalt  }
0x70: {  	_ =	shalt  }
0x71: {  	_ =	shalt  }
0x72: {  	_ =	shalt  }
0x73: {  	_ =	shalt  }
0x74: {  	_ =	shalt  }
0x75: {  	_ =	shalt  }
0x76: {  	_ =	shalt  }
0x77: {  	_ =	shalt  }
0x78: {  	_ =	shalt  }
0x79: {  	_ =	shalt  }
0x7a: {  	_ =	shalt  }
0x7b: {  	_ =	shalt  }
0x7c: {  	_ =	shalt  }
0x7d: {  	_ =	shalt  }
0x7e: {  	_ =	shalt  }
0x7f: {  	_ =	shalt  }
0x80: {  	_ =	shalt  }
0x81: {  	_ =	shalt  }
0x82: {  	_ =	shalt  }
0x83: {  	_ =	shalt  }
0x84: {  	_ =	shalt  }
0x85: {  	_ =	shalt  }
0x86: {  	_ =	shalt  }
0x87: {  	_ =	shalt  }
.Lfunc_end0:
.L_simem_size_0:
called_computation_lowered:
.L_overlay_start_0:
0x88: {  	s2 =	sld [smem:$0x3FD9]  }
0x89: {  	s3 =	sld [smem:$0x3FFE];
	_ =	sdelay $0x1  }
0x8a: {  	s1 =	srdreg.scid  }
0x8b: {  	s0 =	sand.u32 $0x1, s1  }
0x8c: {  	s17 =	sshll.u32 s0, $0xA;
	s2 =	sadd.s32 s3, s2  }
0x8d: {  	s2 =	sadd.s32 s2, s17  }
0x8e: {  	[smem:$0x3FC6] =	sst s2  }
0x8f: {  	_ = 	snop  }
0x90: {  	s2 =	sld [smem:$0x3FD0];
	(tm) =	ssettm $0x1  }
0x91: {  	s18 =	sld [smem:$0x3FFB];
	_ =	sdelay $0x3  }
0x92: {  	_ =	strace s18  }
0x93: {  	s3 =	sld [smem:$0x3FFC];
	_ =	sdelay $0x3  }
0x94: {  	_ =	strace s3  }
0x95: {  	s3 =	sld [smem:$0x3FFD];
	_ =	sdelay $0x3  }
0x96: {  	_ =	strace s3  }
0x97: {  	_ =	strace $0x8FFFFFFF  }
0x98: {  	s19 =	sld [smem:$0x3FDB];
	_ =	sdelay $0x1  }
0x99: {  	s4 =	simm.s32 $_scs_section_size  }
0x9a: {  	s5 =	simm.s32 $_size__tile_overlayer_lowered;
	s6 =	simm.s32 $_tile_overlayer_lowered  }
0x9b: {  	s22 =	simm.s32 $0x1BFF;
	s21 =	sshll.u32 s6, $0x1;
	s3 =	sadd.s32 s4, s19  }
0x9c: {  	s7 =	simm.s32 $0x0;
	s20 =	sshll.u32 s5, $0x1;
	s5 =	sadd.s32 s21, s3  }
0x9d: {  	[timem:s7], [sflag:s22] =	dma.local [hbm:s5], s20  }
0x9e: {  	_ =	swait.ge [sflag:s22], s20  }
0x9f: {  	s4 =	ssub.s32 $0x0, s20;
	[sflag:s22] =	ssyncset.done $0x0  }
0xa0: {  	[sflag:s22] =	ssyncadd.s32 s4;
	_ =	sdelay $0x1  }
0xa1: {  	s23 =	simm.s32 $0x1B8B  }
0xa2: {  	_ =	swait.ge [sflag:s23], $0x1  }
0xa3: {  	[sflag:s23] =	ssyncset.done $0x0  }
0xa4: {  	s25 =	simm.s32 $0x1B8E;
	s24 =	sld [smem:$0x3FFE];
	[sflag:s23] =	ssyncadd.s32 $0xFFFFFFFF  }
0xa5: {  	s26 =	simm.s32 $execute0_lowered;
	[smem:$0x3FD2] =	sst s25  }
0xa6: {  	s5 =	sshll.u32 s26, $0x1;
	_ =	strace $0x80000046;
	[dreg:$0x1] =	wrdreg $0xFFFFFFFF  }
0xa7: {  	s28 =	simm.s32 $_size_execute0_lowered;
	s3 =	sadd.s32 s3, s5;
	[dreg:$0x0] =	wrdreg $0x0  }
0xa8: {  	s5 =	sshll.u32 s28, $0x1;
	[dreg:$0x2] =	wrdreg s3  }
0xa9: {  	[dreg:$0x3] =	wrdreg s5  }
0xaa: {  	[dreg:$0x4] =	wrdreg $0xC0  }
0xab: {  	_ =	task [dreg:s7], $0x5FFFF  }
0xac: {  	[dreg:$0x1] =	wrdreg $0xFFFFFFFF  }
0xad: {  	[dreg:$0x0] =	wrdreg $0x60  }
0xae: {  	[dreg:$0x2] =	wrdreg s24  }
0xaf: {  	[dreg:$0x3] =	wrdreg s2  }
0xb0: {  	[dreg:$0x4] =	wrdreg $0x9  }
0xb1: {  	_ =	task.clear_ibuf [dreg:s7], $0x5FFFF;
	_ =	strace $0x90000046  }
0xb2: {  	s29 =	simm.s32 $0x9;
	_ =	strace $0x80000048  }
0xb3: {  	_ =	swait.ge [sflag:s29], $0x1  }
0xb4: {  	[sflag:s29] =	ssyncadd.s32 $0xFFFFFFFF  }
0xb5: {  	_ =	strace $0x90000048  }
0xb6: {  	_ =	sfence  }
0xb7: {  	s30 =	sld [smem:$0x0];
	_ =	sdelay $0x2  }
0xb8: {  	s31 =	sshll.u32 s1, $0xD;
	s1 =	sshrl.u32 s1, $0x2  }
0xb9: {  	s3 =	sand.u32 $0x4000, s31;
	s1 =	sadd.s32 s1, s30  }
0xba: {  	s0 =	sor.u32 s3, s0;
	s1 =	sshll.u32 s1, $0x11  }
0xbb: {  	s0 =	sor.u32 s1, s0  }
0xbc: {  	s0 =	sadd.s32 $0x8F2B, s0  }
0xbd: {  	[sflag:s0] =	ssyncadd.remote.s32 $0x1  }
0xbe: {  	_ =	sfence.sel $0xFFFF  }
0xbf: {  	[dreg:$0x0] =	wrdreg $0xFFFFFFFF;
	(pc) =	sbr.abs _section_cstart, $3  }
0xc0: {  	[dreg:$0x1] =	wrdreg $0xFFFFFFFF  }
0xc1: {  	_ =	task.clear_ibuf [dreg:s7], $0x2FFFF;
	_ =	strace $0x9FFFFFFF  }
0xc2: {  	(tm) =	ssettm $0x7FFFFFFF  }
0xc3: {  	_ =	shalt  }
tec
execute0_lowered:
.L_overlay_start_1:
0x0: {  	(tag) =	ssettag $0x1  }
0x1: {  	s5 =	rddreg [dreg:$0x0]  }
0x2: {  	s1 =	rddreg [dreg:$0x1]  }
0x3: {  	s0 =	rddreg [dreg:$0x2]  }
0x4: {  	s3 =	simm.s32 $0x0;
	s4 =	srdreg.scid;
	s2 =	stileid.u32  }
0x5: {  	s12 =	simm.s32 $0x1;
	s13 =	simm.s32 $0x0;
	[smem:$0x7FF] =	sst s3  }
0x6: {  	s6 =	sand.u32 $0x1, s4;
	s4 =	sadd.s32 $0xA00, s5;
	s8 =	smul.u32 $0x6800, s2  }
0x7: {  	s10 =	sshll.u32 s2, $0x1;
	s5 =	sadd.s32 $0x27ACE00, s5;
	_ =	strace $0x80000047  }
0x8: {  	s7 =	ssub.s32 $0x2, s6;
	s11 =	smul.u32 $0x3400, s6;
	s6 =	sor.u32 s6, s10  }
0x9: {  	s10 =	simm.s32 $0xD00;
	s9 =	sshrl.u32 s7, $0x1;
	s6 =	smul.u32 $0x3400, s6  }
0xa: {  	s7 =	ssub.s32 s7, s9;
	s8 =	sadd.s32 s11, s8;
	s9 =	simm.s32 $0x2  }
0xb: {  	v0 =	vlaneseq.u32;
	s11 =	simm.s32 $0x1A00;
	s7 =	smax.u32 s7, $0x1;
	s8 =	sor.u32 $0x30, s8  }
.LBB2_1:
0xc: {  	s14 =	smov.u32 s8;
	s15 =	simm.s32 $0x0  }
.LBB2_2:
0xd: {  	s16 =	smul.u32 $0xD00, s15;
	_ =	sdelay $0x1  }
0xe: {  	s16 =	sadd.s32 s6, s16  }
0xf: {  	s17 =	sshrl.u32 s16, $0x3  }
0x10: {  	s17 =	sadd.s32 s4, s17  }
0x11: {  	[tilespmem:s3], [sflag:$0x2] =	stream.linear.gather [hbm4b:s17+s3], $0xD00, $0x38;
	[tilespmem:$0xEA00] =	vst v63  }
0x12: {  	_ =	swait.ge [sflag:s9], $0xD00  }
0x13: {  	s18 =	sadd.s32 $0xFFFFFFD0, s14;
	[sflag:s9] =	ssyncset.done $0x0  }
0x14: {  	v1 =	vor.u32 s18, v0;
	s17 =	simm.s32 $0x20;
	[sflag:s9] =	ssyncadd.s32 $0xFFFFF300  }
0x15: {  	v3 =	vmulhi.u32 $0x4EC4EC4F, v1;
	v2 =	vld [tilespmem:s17+$0xFFFFFFE0];
	_ =	sdelay $0x1  }
0x16: {  	v3 =	vshrl.u32 v3, $0x3  }
0x17: {  	v3 =	vmul.u32 $0x1A, v3;
	_ =	sdelay $0x1  }
0x18: {  	v1 =	vsub.s32 v1, v3;
	v2 =	vtrunc.f32 v2  }
0x19: {  	v1 =	vmul.u32 $0x186A0, v1;
	v2 =	vcvt.f32.s32 v2;
	_ =	sdelay $0x1  }
0x1a: {  	s19 =	sadd.s32 $0xFFFFFFE0, s14;
	s18 =	simm.s32 $0xD20;
	v1 =	vadd.s32 v2, v1  }
0x1b: {  	[tilespmem:s18+$0xFFFFFFE0] =	vst v1;
	v1 =	vor.u32 s19, v0  }
0x1c: {  	v2 =	vld [tilespmem:s17+$0xFFFFFFF0];
	v3 =	vmulhi.u32 $0x4EC4EC4F, v1;
	_ =	sdelay $0x1  }
0x1d: {  	v3 =	vshrl.u32 v3, $0x3  }
0x1e: {  	v3 =	vmul.u32 $0x1A, v3;
	_ =	sdelay $0x1  }
0x1f: {  	v2 =	vtrunc.f32 v2;
	v1 =	vsub.s32 v1, v3  }
0x20: {  	v2 =	vcvt.f32.s32 v2;
	v1 =	vmul.u32 $0x186A0, v1;
	_ =	sdelay $0x1  }
0x21: {  	s31 =	sadd.s32 $0xFFFFFFF0, s14;
	v1 =	vadd.s32 v2, v1  }
0x22: {  	[tilespmem:s18+$0xFFFFFFF0] =	vst v1;
	v1 =	vor.u32 s31, v0  }
0x23: {  	v2 =	vld [tilespmem:s17+$0x0];
	v3 =	vmulhi.u32 $0x4EC4EC4F, v1;
	_ =	sdelay $0x1  }
0x24: {  	v3 =	vshrl.u32 v3, $0x3  }
0x25: {  	v3 =	vmul.u32 $0x1A, v3;
	_ =	sdelay $0x1  }
0x26: {  	v2 =	vtrunc.f32 v2;
	v1 =	vsub.s32 v1, v3  }
0x27: {  	v2 =	vcvt.f32.s32 v2;
	v1 =	vmul.u32 $0x186A0, v1;
	_ =	sdelay $0x1  }
0x28: {  	v1 =	vadd.s32 v2, v1  }
0x29: {  	[tilespmem:s18+$0x0] =	vst v1;
	v1 =	vor.u32 s14, v0  }
0x2a: {  	v2 =	vld [tilespmem:s17+$0x10];
	v3 =	vmulhi.u32 $0x4EC4EC4F, v1;
	_ =	sdelay $0x1  }
0x2b: {  	v3 =	vshrl.u32 v3, $0x3  }
0x2c: {  	v3 =	vmul.u32 $0x1A, v3;
	_ =	sdelay $0x1  }
0x2d: {  	v2 =	vtrunc.f32 v2;
	v3 =	vsub.s32 v1, v3  }
0x2e: {  	v1 =	vcvt.f32.s32 v2;
	v2 =	vmul.u32 $0x186A0, v3  }
0x2f: {  	s20 =	sadd.s32 $0x40, s14;
	s19 =	simm.s32 $0x0  }
.LBB2_3:
0x30: {  	s21 =	sadd.s32 $0xFFFFFFD0, s20;
	s19 =	sadd.s32 $0x4, s19;
	v1 =	vadd.s32 v1, v2  }
0x31: {  	s17 =	sadd.s32 $0x40, s17;
	v2 =	vor.u32 s21, v0;
	p0 =	slt.u32 s19, $0xCC;
	[tilespmem:s18+$0x10] =	vst v1  }
0x32: {  	v1 =	vld [tilespmem:s17+$0xFFFFFFE0];
	v3 =	vmulhi.u32 $0x4EC4EC4F, v2;
	_ =	sdelay $0x1  }
0x33: {  	v3 =	vshrl.u32 v3, $0x3  }
0x34: {  	v3 =	vmul.u32 $0x1A, v3;
	_ =	sdelay $0x1  }
0x35: {  	v1 =	vtrunc.f32 v1;
	v2 =	vsub.s32 v2, v3  }
0x36: {  	v1 =	vcvt.f32.s32 v1;
	v2 =	vmul.u32 $0x186A0, v2;
	_ =	sdelay $0x1  }
0x37: {  	s21 =	sadd.s32 $0xFFFFFFE0, s20;
	s18 =	sadd.s32 $0x40, s18;
	v1 =	vadd.s32 v1, v2  }
0x38: {  	[tilespmem:s18+$0xFFFFFFE0] =	vst v1;
	v1 =	vor.u32 s21, v0  }
0x39: {  	v2 =	vld [tilespmem:s17+$0xFFFFFFF0];
	v3 =	vmulhi.u32 $0x4EC4EC4F, v1;
	_ =	sdelay $0x1  }
0x3a: {  	v3 =	vshrl.u32 v3, $0x3  }
0x3b: {  	v3 =	vmul.u32 $0x1A, v3;
	_ =	sdelay $0x1  }
0x3c: {  	v2 =	vtrunc.f32 v2;
	v1 =	vsub.s32 v1, v3  }
0x3d: {  	v2 =	vcvt.f32.s32 v2;
	v1 =	vmul.u32 $0x186A0, v1;
	_ =	sdelay $0x1  }
0x3e: {  	s21 =	sadd.s32 $0xFFFFFFF0, s20;
	v1 =	vadd.s32 v2, v1  }
0x3f: {  	[tilespmem:s18+$0xFFFFFFF0] =	vst v1;
	v1 =	vor.u32 s21, v0  }
0x40: {  	v2 =	vld [tilespmem:s17+$0x0];
	v3 =	vmulhi.u32 $0x4EC4EC4F, v1;
	_ =	sdelay $0x1  }
0x41: {  	v3 =	vshrl.u32 v3, $0x3  }
0x42: {  	v3 =	vmul.u32 $0x1A, v3;
	_ =	sdelay $0x1  }
0x43: {  	v2 =	vtrunc.f32 v2;
	v1 =	vsub.s32 v1, v3  }
0x44: {  	v2 =	vcvt.f32.s32 v2;
	v1 =	vmul.u32 $0x186A0, v1;
	_ =	sdelay $0x1  }
0x45: {  	v1 =	vadd.s32 v2, v1  }
0x46: {  	[tilespmem:s18+$0x0] =	vst v1;
	v1 =	vor.u32 s20, v0  }
0x47: {  	v2 =	vld [tilespmem:s17+$0x10];
	v3 =	vmulhi.u32 $0x4EC4EC4F, v1;
	_ =	sdelay $0x1  }
0x48: {  	v3 =	vshrl.u32 v3, $0x3  }
.Ltmp0:
0x49: {  	v3 =	vmul.u32 $0x1A, v3;
	(pc) =	sbr.rel @p0 .LBB2_3-.Ltmp0, $4  }
0x4a: {  	_ = 	snop  }
0x4b: {  	v2 =	vtrunc.f32 v2;
	v3 =	vsub.s32 v1, v3  }
0x4c: {  	v1 =	vcvt.f32.s32 v2;
	v2 =	vmul.u32 $0x186A0, v3  }
0x4d: {  	s20 =	sadd.s32 $0x40, s20  }
0x4e: {  	v1 =	vadd.s32 v1, v2  }
0x4f: {  	[tilespmem:s18+$0x10] =	vst v1  }
0x50: {  	[tilespmem:s11], [sflag:$0x1] =	stream.indirect.gather [hbm4b:s5+s10], $0x10, s10, s10, $0xb8;
	[tilespmem:$0xEA00] =	vst v63  }
0x51: {  	s15 =	sadd.s32 $0x1, s15;
	_ =	swait.ge [sflag:s12], $0xD000  }
0x52: {  	s16 =	sshll.u32 s16, $0x1;
	p0 =	sne.s32 s15, $0x4;
	[sflag:s12] =	ssyncset.done $0x0  }
.Ltmp1:
0x53: {  	s16 =	sadd.s32 s1, s16;
	[sflag:s12] =	ssyncadd.s32 $0xFFFF3000;
	(pc) =	sbr.rel @p0 .LBB2_2-.Ltmp1, $4  }
0x54: {  	[hbm4b:s16+s3] =	stream.linear.scatter [tilespmem:s11], [sflag:$0x2], $0xD000, $0x38;
	[tilespmem:$0xEA00] =	vst v63  }
0x55: {  	_ =	swait.ge [sflag:s9], $0xD000  }
0x56: {  	[sflag:s9] =	ssyncset.done $0x0  }
0x57: {  	s14 =	sadd.s32 $0xD00, s14;
	[sflag:s9] =	ssyncadd.s32 $0xFFFF3000  }
0x58: {  	s13 =	sadd.s32 $0x1, s13  }
0x59: {  	p0 =	sne.s32 s13, s7  }
.Ltmp2:
0x5a: {  	_ = 	snop;
	(pc) =	sbr.rel @p0 .LBB2_1-.Ltmp2, $1  }
0x5b: {  	_ =	sdelay $0x3  }
0x5c: {  	_ =	sfence.sel $0x180000  }
0x5d: {  	[bflag:$0x0] =	sbarrier.arrive $0xFFFF  }
0x5e: {  	p0 =	sne.s32 s2, $0x0;
	_ =	strace $0x90000047  }
0x5f: {  	s0 =	sadd.s32 @!p0 $0x100000, s0;
	[bflag:$0x2] =	sbarrier.arrive $0xFFFF  }
0x60: {  	[sflag:s0] =	ssyncadd.tile.s32 @!p0 $0x1;
	_ =	shalt  }
.Lfunc_end2:
_tile_overlayer_lowered:
.L_overlay_start_2:
0x61: {  	(tag) =	ssettag $0x2  }
0x62: {  	s0 =	rddreg [dreg:$0x0];
	s2 =	stileid.u32  }
0x63: {  	s1 =	rddreg [dreg:$0x1];
	p0 =	sne.s32 s2, $0x0  }
0x64: {  	s3 =	rddreg [dreg:$0x2];
	[bflag:$0x3] =	sbarrier.arrive $0xFFFF;
	s2 =	simm.s32 @!p0 $0x1C02  }
0x65: {  	[timem:s3], [sflag:s2] =	dma.local @!p0 [hbm:s0], s1  }
0x66: {  	s0 =	simm.s32 @!p0 $0x2  }
0x67: {  	_ =	swait.ge @!p0 [sflag:s0], s1  }
0x68: {  	s1 =	ssub.s32 @!p0 $0x0, s1;
	[sflag:s0] =	ssyncset.done @!p0 $0x0  }
0x69: {  	[sflag:s0] =	ssyncadd.s32 @!p0 s1  }
0x6a: {  	[bflag:$0x3] =	sbarrier.arrive $0xFFFF  }
0x6b: {  	_ =	shalt  }

</sc_bundles>
